<compile_context>
chip_gen: v7x
topology: tpu7x:2x2x1
jax: 0.10.2.dev20260603
libtpu: 0.0.44.dev20260713+nightly
codegen_flags: <defaults>
</compile_context>

<pallas_src>
import jax
import jax.numpy as jnp
from jax import lax
from jax.experimental import pallas as pl
from jax.experimental.pallas import tpu as pltpu
from jax.experimental.pallas import tpu_sc as plsc

_B = 16384
_V = 1000000
_H = _V // 2
_D = 64
_F = 128
_NC = 2
_NS = 16
_NW = _NC * _NS
_NIDX = 2 * _B
_PER_W = _NIDX // _NW
_RND = 2
_PER_RND = _PER_W // _RND
_NQ = _PER_RND // 128

_TBLK = 4096
_HP = 122 * _TBLK
_TROWS = 123 * _TBLK
_TGRID = _TROWS // _TBLK

_mesh = plsc.VectorSubcoreMesh(
    core_axis_name="c", subcore_axis_name="s",
    num_cores=_NC, num_subcores=_NS,
)


def _pack_body(lo_ref, hi_ref, out_ref):
    out_ref[:, :_D] = jnp.swapaxes(lo_ref[...], 0, 1)
    out_ref[:, _D:] = jnp.swapaxes(hi_ref[...], 0, 1)


def _pack(embt):
    return pl.pallas_call(
        _pack_body,
        grid=(_TGRID,),
        in_specs=[
            pl.BlockSpec((_D, _TBLK), lambda i: (0, i)),
            pl.BlockSpec((_D, _TBLK), lambda i: (0, i + _HP // _TBLK)),
        ],
        out_specs=pl.BlockSpec((_TBLK, 2 * _D), lambda i: (i, 0)),
        out_shape=jax.ShapeDtypeStruct((_TROWS, 2 * _D), jnp.float32),
    )(embt, embt)


def _gather_body(tbl_hbm, idx_hbm, out_hbm, idx_v, rows_v, sem):
    wid = lax.axis_index("s") * _NC + lax.axis_index("c")
    for r in range(_RND):
        pltpu.sync_copy(idx_hbm.at[wid, r], idx_v)
        cps = [
            pltpu.async_copy(
                tbl_hbm.at[idx_v.at[q]],
                rows_v.at[pl.ds(q * 128, 128)],
                sem,
            )
            for q in range(_NQ)
        ]
        for cp in cps:
            cp.wait()
        base = wid * _PER_W + r * _PER_RND
        pltpu.sync_copy(rows_v, out_hbm.at[pl.ds(base, _PER_RND)])


_gather = pl.kernel(
    _gather_body,
    out_type=jax.ShapeDtypeStruct((_NIDX, 2 * _D), jnp.float32),
    mesh=_mesh,
    scratch_types=[
        pltpu.VMEM((_NQ, 128), jnp.int32),
        pltpu.VMEM((_PER_RND, 2 * _D), jnp.float32),
        pltpu.SemaphoreType.DMA,
    ],
)

_BT = 2048


def _mlp_body(top_ref, bot_ref, p0_ref, p1_ref, w1at_ref, w1bt_ref, b1_ref,
              w2t_ref, b2_ref, out_ref):
    top = top_ref[...]
    bot = bot_ref[...]
    e0 = jnp.where(p0_ref[...], top[:, _D:], top[:, :_D])
    e1 = jnp.where(p1_ref[...], bot[:, _D:], bot[:, :_D])
    cond = (
        jnp.dot(e0, w1at_ref[...], preferred_element_type=jnp.float32)
        + jnp.dot(e1, w1bt_ref[...], preferred_element_type=jnp.float32)
        + b1_ref[...]
    )
    h = jnp.tanh(cond)
    out_ref[...] = (
        jnp.dot(h, w2t_ref[...], preferred_element_type=jnp.float32)
        + b2_ref[...]
    )


def _mlp(g, p0, p1, w1at, w1bt, b1r, w2t, b2r):
    return pl.pallas_call(
        _mlp_body,
        grid=(_B // _BT,),
        in_specs=[
            pl.BlockSpec((_BT, 2 * _D), lambda n: (n, 0)),
            pl.BlockSpec((_BT, 2 * _D), lambda n: (n + _B // _BT, 0)),
            pl.BlockSpec((_BT, 1), lambda n: (n, 0)),
            pl.BlockSpec((_BT, 1), lambda n: (n, 0)),
            pl.BlockSpec((_D, _F), lambda n: (0, 0)),
            pl.BlockSpec((_D, _F), lambda n: (0, 0)),
            pl.BlockSpec((1, _F), lambda n: (0, 0)),
            pl.BlockSpec((_F, 2), lambda n: (0, 0)),
            pl.BlockSpec((1, 2), lambda n: (0, 0)),
        ],
        out_specs=pl.BlockSpec((_BT, 2), lambda n: (n, 0)),
        out_shape=jax.ShapeDtypeStruct((_B, 2), jnp.float32),
    )(g, g, p0, p1, w1at, w1bt, b1r, w2t, b2r)


def kernel(x, x_mask, ents, batch_spos, batch_tpos, batch_sent_chars, emb, W1, b1, W2, b2):
    tbl = _pack(emb.T)

    ents32 = ents.astype(jnp.int32)
    half = ents32 >= _HP
    row = jnp.where(half, ents32 - _HP, ents32)
    idx = row.T.reshape(_NW, _RND, _NQ, 128)

    g = _gather(tbl, idx)

    return _mlp(
        g,
        half[:, 0].reshape(_B, 1),
        half[:, 1].reshape(_B, 1),
        W1[:, :_D].T, W1[:, _D:].T,
        b1.reshape(1, _F),
        W2.T,
        b2.reshape(1, 2),
    )

# --- scband reference (transcript-rebuilt; emitter-appended) ---
"""Pipeline reference for scband-entity-classifier-33818572489072 (READ-ONLY COPY).

The authoritative reference and input builder live on the scoring server;
editing this copy changes nothing except your own understanding.
"""

import jax, jax.numpy as jnp
import numpy as np

B = 16384
V = 1000000
D = 64
F = 128


def setup_inputs(seed: int = 0) -> dict:
    key = jax.random.key(seed)
    ks = jax.random.split(key, 10)
    x = jax.random.normal(ks[0], (B, 8), dtype=jnp.float32)
    x_mask = jnp.zeros((B, 8), dtype=bool)
    ents = jax.random.randint(ks[1], (B, 2), 0, V, dtype=jnp.int64) if jax.config.jax_enable_x64 else jax.random.randint(ks[1], (B, 2), 0, V).astype(jnp.int32)
    batch_spos = jax.random.randint(ks[2], (B,), 0, 8)
    batch_tpos = jax.random.randint(ks[3], (B,), 0, 8)
    batch_sent_chars = jax.random.randint(ks[4], (B, 8), 0, 128)
    emb = (jax.random.normal(ks[5], (V, D), dtype=jnp.float32) * 0.02).at[0].set(0.0)  # padding_idx=0
    W1 = jax.random.normal(ks[6], (F, 2 * D), dtype=jnp.float32) * (1.0 / np.sqrt(2 * D))
    b1 = jnp.zeros((F,), dtype=jnp.float32)
    W2 = jax.random.normal(ks[7], (2, F), dtype=jnp.float32) * (1.0 / np.sqrt(F))
    b2 = jnp.zeros((2,), dtype=jnp.float32)
    return {
        "x": x,
        "x_mask": x_mask,
        "ents": ents,
        "batch_spos": batch_spos,
        "batch_tpos": batch_tpos,
        "batch_sent_chars": batch_sent_chars,
        "emb": emb,
        "W1": W1,
        "b1": b1,
        "W2": W2,
        "b2": b2,
    }


def reference(x, x_mask, ents, batch_spos, batch_tpos, batch_sent_chars, emb, W1, b1, W2, b2):
    # e_embs = ent_embedding(ents).view(batch, -1)  -> gather (SparseCore-friendly)
    batch_size = ents.shape[0]
    e_embs = jnp.take(emb, ents, axis=0).reshape(batch_size, -1)
    # condense_feature (Linear: y = e @ W^T + b)
    condensed = e_embs @ W1.T + b1
    # dropout_final = 0.0 -> identity in eval mode
    score = jnp.tanh(condensed) @ W2.T + b2
    return score

if __name__ == "__main__":
    import jax
    _d = setup_inputs()
    print(jax.jit(kernel)(*tuple(_d.values())))

</pallas_src>

<mosaic_0001>
#map = affine_map<(d0, d1) -> (0, 0)>
#map1 = affine_map<(d0, d1) -> (0, 0, 0, 0)>
module attributes {stable_mosaic.version = 14 : i64} {
  func.func @_gather_body(%arg0: i32, %arg1: i32, %arg2: memref<503808x128xf32, #tpu.memory_space<hbm>>, %arg3: memref<32x2x4x128xi32, #tpu.memory_space<hbm>>, %arg4: memref<32768x128xf32, #tpu.memory_space<hbm>>, %arg5: memref<4x128xi32, #tpu.memory_space<vmem>>, %arg6: memref<512x128xf32, #tpu.memory_space<vmem>>, %arg7: memref<!tpu.dma_semaphore, #tpu.memory_space<semaphore_mem>>) attributes {dimension_semantics = [#tpu.dimension_semantics<core_parallel>, #tpu.dimension_semantics<subcore_parallel>], iteration_bounds = array<i64: 2, 16>, scalar_prefetch = 0 : i64, scratch_operands = 3 : i64, tpu.core_type = #tpu.core_type<sc_vector_subcore>, window_params = [{transform_indices = #map}, {transform_indices = #map1}, {transform_indices = #map}]} {
    %mul3A = arith.constant 2 : i32
    %mul3A_0 = arith.muli %arg1, %mul3A : i32
    %add3A = arith.addi %mul3A_0, %arg0 : i32
    %run_scoped3A = arith.constant 0 : i32
    "tpu.region"() ({
      %run_scoped3A_168 = tpu.sem_alloc : memref<!tpu.dma_semaphore, #tpu.memory_space<semaphore_mem>>
      %dma_start3A_169 = arith.constant 0 : i32
      %dma_start3A_170 = arith.constant 0 : i32
      %dma_start3A_171 = tpu.memref_slice %arg3[%add3A, %run_scoped3A, %dma_start3A_169, %dma_start3A_170] : memref<32x2x4x128xi32, #tpu.memory_space<hbm>> -> memref<1x1x4x128xi32, #tpu.memory_space<hbm>>
      %dma_start3A_172 = tpu.memref_squeeze %dma_start3A_171 : memref<1x1x4x128xi32, #tpu.memory_space<hbm>> -> memref<4x128xi32, #tpu.memory_space<hbm>>
      %dma_start3A_173 = arith.constant 0 : i32
      %dma_start3A_174 = arith.constant 0 : i32
      %dma_start3A_175 = tpu.memref_slice %arg3[%add3A, %run_scoped3A, %dma_start3A_173, %dma_start3A_174] : memref<32x2x4x128xi32, #tpu.memory_space<hbm>> -> memref<1x1x4x128xi32, #tpu.memory_space<hbm>>
      %dma_start3A_176 = tpu.memref_squeeze %dma_start3A_175 : memref<1x1x4x128xi32, #tpu.memory_space<hbm>> -> memref<4x128xi32, #tpu.memory_space<hbm>>
      tpu.enqueue_dma source(%dma_start3A_176 : memref<4x128xi32, #tpu.memory_space<hbm>>) target(%arg5 : memref<4x128xi32, #tpu.memory_space<vmem>>) target_semaphore(%run_scoped3A_168 : memref<!tpu.dma_semaphore, #tpu.memory_space<semaphore_mem>>)
      %dma_wait3A_177 = arith.constant 0 : i32
      %dma_wait3A_178 = arith.constant 0 : i32
      %dma_wait3A_179 = tpu.memref_slice %arg3[%add3A, %run_scoped3A, %dma_wait3A_177, %dma_wait3A_178] : memref<32x2x4x128xi32, #tpu.memory_space<hbm>> -> memref<1x1x4x128xi32, #tpu.memory_space<hbm>>
      %dma_wait3A_180 = tpu.memref_squeeze %dma_wait3A_179 : memref<1x1x4x128xi32, #tpu.memory_space<hbm>> -> memref<4x128xi32, #tpu.memory_space<hbm>>
      %dma_wait3A_181 = arith.constant 0 : i32
      %dma_wait3A_182 = arith.constant 0 : i32
      %dma_wait3A_183 = tpu.memref_slice %arg3[%add3A, %run_scoped3A, %dma_wait3A_181, %dma_wait3A_182] : memref<32x2x4x128xi32, #tpu.memory_space<hbm>> -> memref<1x1x4x128xi32, #tpu.memory_space<hbm>>
      %dma_wait3A_184 = tpu.memref_squeeze %dma_wait3A_183 : memref<1x1x4x128xi32, #tpu.memory_space<hbm>> -> memref<4x128xi32, #tpu.memory_space<hbm>>
      tpu.wait_dma2 semaphore(%run_scoped3A_168 : memref<!tpu.dma_semaphore, #tpu.memory_space<semaphore_mem>>) src(%dma_wait3A_184 : memref<4x128xi32, #tpu.memory_space<hbm>>) dst(%arg5 : memref<4x128xi32, #tpu.memory_space<vmem>>)
      tpu.yield
    }) : () -> ()
    %dma_start3A = arith.constant 0 : i32
    %dma_start3A_1 = arith.constant 0 : i32
    %dma_start3A_2 = arith.constant 0 : i32
    %dma_start3A_3 = tpu.memref_slice %arg6[%dma_start3A_1, %dma_start3A_2] : memref<512x128xf32, #tpu.memory_space<vmem>> -> memref<128x128xf32, #tpu.memory_space<vmem>>
    %dma_start3A_4 = arith.constant 0 : i32
    %dma_start3A_5 = tpu.memref_slice %arg5[%dma_start3A, %dma_start3A_4] : memref<4x128xi32, #tpu.memory_space<vmem>> -> memref<1x128xi32, #tpu.memory_space<vmem>>
    %dma_start3A_6 = tpu.memref_squeeze %dma_start3A_5 : memref<1x128xi32, #tpu.memory_space<vmem>> -> memref<128xi32, #tpu.memory_space<vmem>>
    %dma_start3A_7 = arith.constant 0 : i32
    %dma_start3A_8 = arith.constant 0 : i32
    %dma_start3A_9 = tpu.memref_slice %arg2[%dma_start3A_7, %dma_start3A_8] : memref<503808x128xf32, #tpu.memory_space<hbm>> -> memref<503808x128xf32, #tpu.memory_space<hbm>>
    tpu.enqueue_indirect_dma source(%dma_start3A_9 : memref<503808x128xf32, #tpu.memory_space<hbm>>) target(%dma_start3A_3 : memref<128x128xf32, #tpu.memory_space<vmem>>) offsets(%dma_start3A_6 : memref<128xi32, #tpu.memory_space<vmem>>) semaphore(%arg7 : memref<!tpu.dma_semaphore, #tpu.memory_space<semaphore_mem>>)
    %dma_start3A_10 = arith.constant 1 : i32
    %dma_start3A_11 = arith.constant 128 : i32
    %dma_start3A_12 = arith.constant 0 : i32
    %dma_start3A_13 = tpu.memref_slice %arg6[%dma_start3A_11, %dma_start3A_12] : memref<512x128xf32, #tpu.memory_space<vmem>> -> memref<128x128xf32, #tpu.memory_space<vmem>>
    %dma_start3A_14 = arith.constant 0 : i32
    %dma_start3A_15 = tpu.memref_slice %arg5[%dma_start3A_10, %dma_start3A_14] : memref<4x128xi32, #tpu.memory_space<vmem>> -> memref<1x128xi32, #tpu.memory_space<vmem>>
    %dma_start3A_16 = tpu.memref_squeeze %dma_start3A_15 : memref<1x128xi32, #tpu.memory_space<vmem>> -> memref<128xi32, #tpu.memory_space<vmem>>
    %dma_start3A_17 = arith.constant 0 : i32
    %dma_start3A_18 = arith.constant 0 : i32
    %dma_start3A_19 = tpu.memref_slice %arg2[%dma_start3A_17, %dma_start3A_18] : memref<503808x128xf32, #tpu.memory_space<hbm>> -> memref<503808x128xf32, #tpu.memory_space<hbm>>
    tpu.enqueue_indirect_dma source(%dma_start3A_19 : memref<503808x128xf32, #tpu.memory_space<hbm>>) target(%dma_start3A_13 : memref<128x128xf32, #tpu.memory_space<vmem>>) offsets(%dma_start3A_16 : memref<128xi32, #tpu.memory_space<vmem>>) semaphore(%arg7 : memref<!tpu.dma_semaphore, #tpu.memory_space<semaphore_mem>>)
    %dma_start3A_20 = arith.constant 2 : i32
    %dma_start3A_21 = arith.constant 256 : i32
    %dma_start3A_22 = arith.constant 0 : i32
    %dma_start3A_23 = tpu.memref_slice %arg6[%dma_start3A_21, %dma_start3A_22] : memref<512x128xf32, #tpu.memory_space<vmem>> -> memref<128x128xf32, #tpu.memory_space<vmem>>
    %dma_start3A_24 = arith.constant 0 : i32
    %dma_start3A_25 = tpu.memref_slice %arg5[%dma_start3A_20, %dma_start3A_24] : memref<4x128xi32, #tpu.memory_space<vmem>> -> memref<1x128xi32, #tpu.memory_space<vmem>>
    %dma_start3A_26 = tpu.memref_squeeze %dma_start3A_25 : memref<1x128xi32, #tpu.memory_space<vmem>> -> memref<128xi32, #tpu.memory_space<vmem>>
    %dma_start3A_27 = arith.constant 0 : i32
    %dma_start3A_28 = arith.constant 0 : i32
    %dma_start3A_29 = tpu.memref_slice %arg2[%dma_start3A_27, %dma_start3A_28] : memref<503808x128xf32, #tpu.memory_space<hbm>> -> memref<503808x128xf32, #tpu.memory_space<hbm>>
    tpu.enqueue_indirect_dma source(%dma_start3A_29 : memref<503808x128xf32, #tpu.memory_space<hbm>>) target(%dma_start3A_23 : memref<128x128xf32, #tpu.memory_space<vmem>>) offsets(%dma_start3A_26 : memref<128xi32, #tpu.memory_space<vmem>>) semaphore(%arg7 : memref<!tpu.dma_semaphore, #tpu.memory_space<semaphore_mem>>)
    %dma_start3A_30 = arith.constant 3 : i32
    %dma_start3A_31 = arith.constant 384 : i32
    %dma_start3A_32 = arith.constant 0 : i32
    %dma_start3A_33 = tpu.memref_slice %arg6[%dma_start3A_31, %dma_start3A_32] : memref<512x128xf32, #tpu.memory_space<vmem>> -> memref<128x128xf32, #tpu.memory_space<vmem>>
    %dma_start3A_34 = arith.constant 0 : i32
    %dma_start3A_35 = tpu.memref_slice %arg5[%dma_start3A_30, %dma_start3A_34] : memref<4x128xi32, #tpu.memory_space<vmem>> -> memref<1x128xi32, #tpu.memory_space<vmem>>
    %dma_start3A_36 = tpu.memref_squeeze %dma_start3A_35 : memref<1x128xi32, #tpu.memory_space<vmem>> -> memref<128xi32, #tpu.memory_space<vmem>>
    %dma_start3A_37 = arith.constant 0 : i32
    %dma_start3A_38 = arith.constant 0 : i32
    %dma_start3A_39 = tpu.memref_slice %arg2[%dma_start3A_37, %dma_start3A_38] : memref<503808x128xf32, #tpu.memory_space<hbm>> -> memref<503808x128xf32, #tpu.memory_space<hbm>>
    tpu.enqueue_indirect_dma source(%dma_start3A_39 : memref<503808x128xf32, #tpu.memory_space<hbm>>) target(%dma_start3A_33 : memref<128x128xf32, #tpu.memory_space<vmem>>) offsets(%dma_start3A_36 : memref<128xi32, #tpu.memory_space<vmem>>) semaphore(%arg7 : memref<!tpu.dma_semaphore, #tpu.memory_space<semaphore_mem>>)
    %dma_wait3A = arith.constant 0 : i32
    %dma_wait3A_40 = arith.constant 0 : i32
    %dma_wait3A_41 = arith.constant 0 : i32
    %dma_wait3A_42 = tpu.memref_slice %arg6[%dma_wait3A_40, %dma_wait3A_41] : memref<512x128xf32, #tpu.memory_space<vmem>> -> memref<128x128xf32, #tpu.memory_space<vmem>>
    %dma_wait3A_43 = arith.constant 0 : i32
    %dma_wait3A_44 = tpu.memref_slice %arg5[%dma_wait3A, %dma_wait3A_43] : memref<4x128xi32, #tpu.memory_space<vmem>> -> memref<1x128xi32, #tpu.memory_space<vmem>>
    %dma_wait3A_45 = tpu.memref_squeeze %dma_wait3A_44 : memref<1x128xi32, #tpu.memory_space<vmem>> -> memref<128xi32, #tpu.memory_space<vmem>>
    %dma_wait3A_46 = arith.constant 0 : i32
    %dma_wait3A_47 = arith.constant 0 : i32
    %dma_wait3A_48 = tpu.memref_slice %arg2[%dma_wait3A_46, %dma_wait3A_47] : memref<503808x128xf32, #tpu.memory_space<hbm>> -> memref<503808x128xf32, #tpu.memory_space<hbm>>
    tpu.wait_indirect_dma semaphore(%arg7 : memref<!tpu.dma_semaphore, #tpu.memory_space<semaphore_mem>>) src(%dma_wait3A_48 : memref<503808x128xf32, #tpu.memory_space<hbm>>) dst(%dma_wait3A_42 : memref<128x128xf32, #tpu.memory_space<vmem>>)
    %dma_wait3A_49 = arith.constant 1 : i32
    %dma_wait3A_50 = arith.constant 128 : i32
    %dma_wait3A_51 = arith.constant 0 : i32
    %dma_wait3A_52 = tpu.memref_slice %arg6[%dma_wait3A_50, %dma_wait3A_51] : memref<512x128xf32, #tpu.memory_space<vmem>> -> memref<128x128xf32, #tpu.memory_space<vmem>>
    %dma_wait3A_53 = arith.constant 0 : i32
    %dma_wait3A_54 = tpu.memref_slice %arg5[%dma_wait3A_49, %dma_wait3A_53] : memref<4x128xi32, #tpu.memory_space<vmem>> -> memref<1x128xi32, #tpu.memory_space<vmem>>
    %dma_wait3A_55 = tpu.memref_squeeze %dma_wait3A_54 : memref<1x128xi32, #tpu.memory_space<vmem>> -> memref<128xi32, #tpu.memory_space<vmem>>
    %dma_wait3A_56 = arith.constant 0 : i32
    %dma_wait3A_57 = arith.constant 0 : i32
    %dma_wait3A_58 = tpu.memref_slice %arg2[%dma_wait3A_56, %dma_wait3A_57] : memref<503808x128xf32, #tpu.memory_space<hbm>> -> memref<503808x128xf32, #tpu.memory_space<hbm>>
    tpu.wait_indirect_dma semaphore(%arg7 : memref<!tpu.dma_semaphore, #tpu.memory_space<semaphore_mem>>) src(%dma_wait3A_58 : memref<503808x128xf32, #tpu.memory_space<hbm>>) dst(%dma_wait3A_52 : memref<128x128xf32, #tpu.memory_space<vmem>>)
    %dma_wait3A_59 = arith.constant 2 : i32
    %dma_wait3A_60 = arith.constant 256 : i32
    %dma_wait3A_61 = arith.constant 0 : i32
    %dma_wait3A_62 = tpu.memref_slice %arg6[%dma_wait3A_60, %dma_wait3A_61] : memref<512x128xf32, #tpu.memory_space<vmem>> -> memref<128x128xf32, #tpu.memory_space<vmem>>
    %dma_wait3A_63 = arith.constant 0 : i32
    %dma_wait3A_64 = tpu.memref_slice %arg5[%dma_wait3A_59, %dma_wait3A_63] : memref<4x128xi32, #tpu.memory_space<vmem>> -> memref<1x128xi32, #tpu.memory_space<vmem>>
    %dma_wait3A_65 = tpu.memref_squeeze %dma_wait3A_64 : memref<1x128xi32, #tpu.memory_space<vmem>> -> memref<128xi32, #tpu.memory_space<vmem>>
    %dma_wait3A_66 = arith.constant 0 : i32
    %dma_wait3A_67 = arith.constant 0 : i32
    %dma_wait3A_68 = tpu.memref_slice %arg2[%dma_wait3A_66, %dma_wait3A_67] : memref<503808x128xf32, #tpu.memory_space<hbm>> -> memref<503808x128xf32, #tpu.memory_space<hbm>>
    tpu.wait_indirect_dma semaphore(%arg7 : memref<!tpu.dma_semaphore, #tpu.memory_space<semaphore_mem>>) src(%dma_wait3A_68 : memref<503808x128xf32, #tpu.memory_space<hbm>>) dst(%dma_wait3A_62 : memref<128x128xf32, #tpu.memory_space<vmem>>)
    %dma_wait3A_69 = arith.constant 3 : i32
    %dma_wait3A_70 = arith.constant 384 : i32
    %dma_wait3A_71 = arith.constant 0 : i32
    %dma_wait3A_72 = tpu.memref_slice %arg6[%dma_wait3A_70, %dma_wait3A_71] : memref<512x128xf32, #tpu.memory_space<vmem>> -> memref<128x128xf32, #tpu.memory_space<vmem>>
    %dma_wait3A_73 = arith.constant 0 : i32
    %dma_wait3A_74 = tpu.memref_slice %arg5[%dma_wait3A_69, %dma_wait3A_73] : memref<4x128xi32, #tpu.memory_space<vmem>> -> memref<1x128xi32, #tpu.memory_space<vmem>>
    %dma_wait3A_75 = tpu.memref_squeeze %dma_wait3A_74 : memref<1x128xi32, #tpu.memory_space<vmem>> -> memref<128xi32, #tpu.memory_space<vmem>>
    %dma_wait3A_76 = arith.constant 0 : i32
    %dma_wait3A_77 = arith.constant 0 : i32
    %dma_wait3A_78 = tpu.memref_slice %arg2[%dma_wait3A_76, %dma_wait3A_77] : memref<503808x128xf32, #tpu.memory_space<hbm>> -> memref<503808x128xf32, #tpu.memory_space<hbm>>
    tpu.wait_indirect_dma semaphore(%arg7 : memref<!tpu.dma_semaphore, #tpu.memory_space<semaphore_mem>>) src(%dma_wait3A_78 : memref<503808x128xf32, #tpu.memory_space<hbm>>) dst(%dma_wait3A_72 : memref<128x128xf32, #tpu.memory_space<vmem>>)
    %mul3A_79 = arith.constant 1024 : i32
    %mul3A_80 = arith.muli %add3A, %mul3A_79 : i32
    %add3A_81 = arith.constant 0 : i32
    %add3A_82 = arith.addi %mul3A_80, %add3A_81 : i32
    "tpu.region"() ({
      %run_scoped3A_168 = tpu.sem_alloc : memref<!tpu.dma_semaphore, #tpu.memory_space<semaphore_mem>>
      %dma_start3A_169 = arith.constant 0 : i32
      %dma_start3A_170 = tpu.memref_slice %arg4[%add3A_82, %dma_start3A_169] : memref<32768x128xf32, #tpu.memory_space<hbm>> -> memref<512x128xf32, #tpu.memory_space<hbm>>
      %dma_start3A_171 = arith.constant 0 : i32
      %dma_start3A_172 = tpu.memref_slice %arg4[%add3A_82, %dma_start3A_171] : memref<32768x128xf32, #tpu.memory_space<hbm>> -> memref<512x128xf32, #tpu.memory_space<hbm>>
      tpu.enqueue_dma source(%arg6 : memref<512x128xf32, #tpu.memory_space<vmem>>) target(%dma_start3A_172 : memref<512x128xf32, #tpu.memory_space<hbm>>) target_semaphore(%run_scoped3A_168 : memref<!tpu.dma_semaphore, #tpu.memory_space<semaphore_mem>>)
      %dma_wait3A_173 = arith.constant 0 : i32
      %dma_wait3A_174 = tpu.memref_slice %arg4[%add3A_82, %dma_wait3A_173] : memref<32768x128xf32, #tpu.memory_space<hbm>> -> memref<512x128xf32, #tpu.memory_space<hbm>>
      %dma_wait3A_175 = arith.constant 0 : i32
      %dma_wait3A_176 = tpu.memref_slice %arg4[%add3A_82, %dma_wait3A_175] : memref<32768x128xf32, #tpu.memory_space<hbm>> -> memref<512x128xf32, #tpu.memory_space<hbm>>
      tpu.wait_dma2 semaphore(%run_scoped3A_168 : memref<!tpu.dma_semaphore, #tpu.memory_space<semaphore_mem>>) src(%arg6 : memref<512x128xf32, #tpu.memory_space<vmem>>) dst(%dma_wait3A_176 : memref<512x128xf32, #tpu.memory_space<hbm>>)
      tpu.yield
    }) : () -> ()
    %run_scoped3A_83 = arith.constant 1 : i32
    "tpu.region"() ({
      %run_scoped3A_168 = tpu.sem_alloc : memref<!tpu.dma_semaphore, #tpu.memory_space<semaphore_mem>>
      %dma_start3A_169 = arith.constant 0 : i32
      %dma_start3A_170 = arith.constant 0 : i32
      %dma_start3A_171 = tpu.memref_slice %arg3[%add3A, %run_scoped3A_83, %dma_start3A_169, %dma_start3A_170] : memref<32x2x4x128xi32, #tpu.memory_space<hbm>> -> memref<1x1x4x128xi32, #tpu.memory_space<hbm>>
      %dma_start3A_172 = tpu.memref_squeeze %dma_start3A_171 : memref<1x1x4x128xi32, #tpu.memory_space<hbm>> -> memref<4x128xi32, #tpu.memory_space<hbm>>
      %dma_start3A_173 = arith.constant 0 : i32
      %dma_start3A_174 = arith.constant 0 : i32
      %dma_start3A_175 = tpu.memref_slice %arg3[%add3A, %run_scoped3A_83, %dma_start3A_173, %dma_start3A_174] : memref<32x2x4x128xi32, #tpu.memory_space<hbm>> -> memref<1x1x4x128xi32, #tpu.memory_space<hbm>>
      %dma_start3A_176 = tpu.memref_squeeze %dma_start3A_175 : memref<1x1x4x128xi32, #tpu.memory_space<hbm>> -> memref<4x128xi32, #tpu.memory_space<hbm>>
      tpu.enqueue_dma source(%dma_start3A_176 : memref<4x128xi32, #tpu.memory_space<hbm>>) target(%arg5 : memref<4x128xi32, #tpu.memory_space<vmem>>) target_semaphore(%run_scoped3A_168 : memref<!tpu.dma_semaphore, #tpu.memory_space<semaphore_mem>>)
      %dma_wait3A_177 = arith.constant 0 : i32
      %dma_wait3A_178 = arith.constant 0 : i32
      %dma_wait3A_179 = tpu.memref_slice %arg3[%add3A, %run_scoped3A_83, %dma_wait3A_177, %dma_wait3A_178] : memref<32x2x4x128xi32, #tpu.memory_space<hbm>> -> memref<1x1x4x128xi32, #tpu.memory_space<hbm>>
      %dma_wait3A_180 = tpu.memref_squeeze %dma_wait3A_179 : memref<1x1x4x128xi32, #tpu.memory_space<hbm>> -> memref<4x128xi32, #tpu.memory_space<hbm>>
      %dma_wait3A_181 = arith.constant 0 : i32
      %dma_wait3A_182 = arith.constant 0 : i32
      %dma_wait3A_183 = tpu.memref_slice %arg3[%add3A, %run_scoped3A_83, %dma_wait3A_181, %dma_wait3A_182] : memref<32x2x4x128xi32, #tpu.memory_space<hbm>> -> memref<1x1x4x128xi32, #tpu.memory_space<hbm>>
      %dma_wait3A_184 = tpu.memref_squeeze %dma_wait3A_183 : memref<1x1x4x128xi32, #tpu.memory_space<hbm>> -> memref<4x128xi32, #tpu.memory_space<hbm>>
      tpu.wait_dma2 semaphore(%run_scoped3A_168 : memref<!tpu.dma_semaphore, #tpu.memory_space<semaphore_mem>>) src(%dma_wait3A_184 : memref<4x128xi32, #tpu.memory_space<hbm>>) dst(%arg5 : memref<4x128xi32, #tpu.memory_space<vmem>>)
      tpu.yield
    }) : () -> ()
    %dma_start3A_84 = arith.constant 0 : i32
    %dma_start3A_85 = arith.constant 0 : i32
    %dma_start3A_86 = arith.constant 0 : i32
    %dma_start3A_87 = tpu.memref_slice %arg6[%dma_start3A_85, %dma_start3A_86] : memref<512x128xf32, #tpu.memory_space<vmem>> -> memref<128x128xf32, #tpu.memory_space<vmem>>
    %dma_start3A_88 = arith.constant 0 : i32
    %dma_start3A_89 = tpu.memref_slice %arg5[%dma_start3A_84, %dma_start3A_88] : memref<4x128xi32, #tpu.memory_space<vmem>> -> memref<1x128xi32, #tpu.memory_space<vmem>>
    %dma_start3A_90 = tpu.memref_squeeze %dma_start3A_89 : memref<1x128xi32, #tpu.memory_space<vmem>> -> memref<128xi32, #tpu.memory_space<vmem>>
    %dma_start3A_91 = arith.constant 0 : i32
    %dma_start3A_92 = arith.constant 0 : i32
    %dma_start3A_93 = tpu.memref_slice %arg2[%dma_start3A_91, %dma_start3A_92] : memref<503808x128xf32, #tpu.memory_space<hbm>> -> memref<503808x128xf32, #tpu.memory_space<hbm>>
    tpu.enqueue_indirect_dma source(%dma_start3A_93 : memref<503808x128xf32, #tpu.memory_space<hbm>>) target(%dma_start3A_87 : memref<128x128xf32, #tpu.memory_space<vmem>>) offsets(%dma_start3A_90 : memref<128xi32, #tpu.memory_space<vmem>>) semaphore(%arg7 : memref<!tpu.dma_semaphore, #tpu.memory_space<semaphore_mem>>)
    %dma_start3A_94 = arith.constant 1 : i32
    %dma_start3A_95 = arith.constant 128 : i32
    %dma_start3A_96 = arith.constant 0 : i32
    %dma_start3A_97 = tpu.memref_slice %arg6[%dma_start3A_95, %dma_start3A_96] : memref<512x128xf32, #tpu.memory_space<vmem>> -> memref<128x128xf32, #tpu.memory_space<vmem>>
    %dma_start3A_98 = arith.constant 0 : i32
    %dma_start3A_99 = tpu.memref_slice %arg5[%dma_start3A_94, %dma_start3A_98] : memref<4x128xi32, #tpu.memory_space<vmem>> -> memref<1x128xi32, #tpu.memory_space<vmem>>
    %dma_start3A_100 = tpu.memref_squeeze %dma_start3A_99 : memref<1x128xi32, #tpu.memory_space<vmem>> -> memref<128xi32, #tpu.memory_space<vmem>>
    %dma_start3A_101 = arith.constant 0 : i32
    %dma_start3A_102 = arith.constant 0 : i32
    %dma_start3A_103 = tpu.memref_slice %arg2[%dma_start3A_101, %dma_start3A_102] : memref<503808x128xf32, #tpu.memory_space<hbm>> -> memref<503808x128xf32, #tpu.memory_space<hbm>>
    tpu.enqueue_indirect_dma source(%dma_start3A_103 : memref<503808x128xf32, #tpu.memory_space<hbm>>) target(%dma_start3A_97 : memref<128x128xf32, #tpu.memory_space<vmem>>) offsets(%dma_start3A_100 : memref<128xi32, #tpu.memory_space<vmem>>) semaphore(%arg7 : memref<!tpu.dma_semaphore, #tpu.memory_space<semaphore_mem>>)
    %dma_start3A_104 = arith.constant 2 : i32
    %dma_start3A_105 = arith.constant 256 : i32
    %dma_start3A_106 = arith.constant 0 : i32
    %dma_start3A_107 = tpu.memref_slice %arg6[%dma_start3A_105, %dma_start3A_106] : memref<512x128xf32, #tpu.memory_space<vmem>> -> memref<128x128xf32, #tpu.memory_space<vmem>>
    %dma_start3A_108 = arith.constant 0 : i32
    %dma_start3A_109 = tpu.memref_slice %arg5[%dma_start3A_104, %dma_start3A_108] : memref<4x128xi32, #tpu.memory_space<vmem>> -> memref<1x128xi32, #tpu.memory_space<vmem>>
    %dma_start3A_110 = tpu.memref_squeeze %dma_start3A_109 : memref<1x128xi32, #tpu.memory_space<vmem>> -> memref<128xi32, #tpu.memory_space<vmem>>
    %dma_start3A_111 = arith.constant 0 : i32
    %dma_start3A_112 = arith.constant 0 : i32
    %dma_start3A_113 = tpu.memref_slice %arg2[%dma_start3A_111, %dma_start3A_112] : memref<503808x128xf32, #tpu.memory_space<hbm>> -> memref<503808x128xf32, #tpu.memory_space<hbm>>
    tpu.enqueue_indirect_dma source(%dma_start3A_113 : memref<503808x128xf32, #tpu.memory_space<hbm>>) target(%dma_start3A_107 : memref<128x128xf32, #tpu.memory_space<vmem>>) offsets(%dma_start3A_110 : memref<128xi32, #tpu.memory_space<vmem>>) semaphore(%arg7 : memref<!tpu.dma_semaphore, #tpu.memory_space<semaphore_mem>>)
    %dma_start3A_114 = arith.constant 3 : i32
    %dma_start3A_115 = arith.constant 384 : i32
    %dma_start3A_116 = arith.constant 0 : i32
    %dma_start3A_117 = tpu.memref_slice %arg6[%dma_start3A_115, %dma_start3A_116] : memref<512x128xf32, #tpu.memory_space<vmem>> -> memref<128x128xf32, #tpu.memory_space<vmem>>
    %dma_start3A_118 = arith.constant 0 : i32
    %dma_start3A_119 = tpu.memref_slice %arg5[%dma_start3A_114, %dma_start3A_118] : memref<4x128xi32, #tpu.memory_space<vmem>> -> memref<1x128xi32, #tpu.memory_space<vmem>>
    %dma_start3A_120 = tpu.memref_squeeze %dma_start3A_119 : memref<1x128xi32, #tpu.memory_space<vmem>> -> memref<128xi32, #tpu.memory_space<vmem>>
    %dma_start3A_121 = arith.constant 0 : i32
    %dma_start3A_122 = arith.constant 0 : i32
    %dma_start3A_123 = tpu.memref_slice %arg2[%dma_start3A_121, %dma_start3A_122] : memref<503808x128xf32, #tpu.memory_space<hbm>> -> memref<503808x128xf32, #tpu.memory_space<hbm>>
    tpu.enqueue_indirect_dma source(%dma_start3A_123 : memref<503808x128xf32, #tpu.memory_space<hbm>>) target(%dma_start3A_117 : memref<128x128xf32, #tpu.memory_space<vmem>>) offsets(%dma_start3A_120 : memref<128xi32, #tpu.memory_space<vmem>>) semaphore(%arg7 : memref<!tpu.dma_semaphore, #tpu.memory_space<semaphore_mem>>)
    %dma_wait3A_124 = arith.constant 0 : i32
    %dma_wait3A_125 = arith.constant 0 : i32
    %dma_wait3A_126 = arith.constant 0 : i32
    %dma_wait3A_127 = tpu.memref_slice %arg6[%dma_wait3A_125, %dma_wait3A_126] : memref<512x128xf32, #tpu.memory_space<vmem>> -> memref<128x128xf32, #tpu.memory_space<vmem>>
    %dma_wait3A_128 = arith.constant 0 : i32
    %dma_wait3A_129 = tpu.memref_slice %arg5[%dma_wait3A_124, %dma_wait3A_128] : memref<4x128xi32, #tpu.memory_space<vmem>> -> memref<1x128xi32, #tpu.memory_space<vmem>>
    %dma_wait3A_130 = tpu.memref_squeeze %dma_wait3A_129 : memref<1x128xi32, #tpu.memory_space<vmem>> -> memref<128xi32, #tpu.memory_space<vmem>>
    %dma_wait3A_131 = arith.constant 0 : i32
    %dma_wait3A_132 = arith.constant 0 : i32
    %dma_wait3A_133 = tpu.memref_slice %arg2[%dma_wait3A_131, %dma_wait3A_132] : memref<503808x128xf32, #tpu.memory_space<hbm>> -> memref<503808x128xf32, #tpu.memory_space<hbm>>
    tpu.wait_indirect_dma semaphore(%arg7 : memref<!tpu.dma_semaphore, #tpu.memory_space<semaphore_mem>>) src(%dma_wait3A_133 : memref<503808x128xf32, #tpu.memory_space<hbm>>) dst(%dma_wait3A_127 : memref<128x128xf32, #tpu.memory_space<vmem>>)
    %dma_wait3A_134 = arith.constant 1 : i32
    %dma_wait3A_135 = arith.constant 128 : i32
    %dma_wait3A_136 = arith.constant 0 : i32
    %dma_wait3A_137 = tpu.memref_slice %arg6[%dma_wait3A_135, %dma_wait3A_136] : memref<512x128xf32, #tpu.memory_space<vmem>> -> memref<128x128xf32, #tpu.memory_space<vmem>>
    %dma_wait3A_138 = arith.constant 0 : i32
    %dma_wait3A_139 = tpu.memref_slice %arg5[%dma_wait3A_134, %dma_wait3A_138] : memref<4x128xi32, #tpu.memory_space<vmem>> -> memref<1x128xi32, #tpu.memory_space<vmem>>
    %dma_wait3A_140 = tpu.memref_squeeze %dma_wait3A_139 : memref<1x128xi32, #tpu.memory_space<vmem>> -> memref<128xi32, #tpu.memory_space<vmem>>
    %dma_wait3A_141 = arith.constant 0 : i32
    %dma_wait3A_142 = arith.constant 0 : i32
    %dma_wait3A_143 = tpu.memref_slice %arg2[%dma_wait3A_141, %dma_wait3A_142] : memref<503808x128xf32, #tpu.memory_space<hbm>> -> memref<503808x128xf32, #tpu.memory_space<hbm>>
    tpu.wait_indirect_dma semaphore(%arg7 : memref<!tpu.dma_semaphore, #tpu.memory_space<semaphore_mem>>) src(%dma_wait3A_143 : memref<503808x128xf32, #tpu.memory_space<hbm>>) dst(%dma_wait3A_137 : memref<128x128xf32, #tpu.memory_space<vmem>>)
    %dma_wait3A_144 = arith.constant 2 : i32
    %dma_wait3A_145 = arith.constant 256 : i32
    %dma_wait3A_146 = arith.constant 0 : i32
    %dma_wait3A_147 = tpu.memref_slice %arg6[%dma_wait3A_145, %dma_wait3A_146] : memref<512x128xf32, #tpu.memory_space<vmem>> -> memref<128x128xf32, #tpu.memory_space<vmem>>
    %dma_wait3A_148 = arith.constant 0 : i32
    %dma_wait3A_149 = tpu.memref_slice %arg5[%dma_wait3A_144, %dma_wait3A_148] : memref<4x128xi32, #tpu.memory_space<vmem>> -> memref<1x128xi32, #tpu.memory_space<vmem>>
    %dma_wait3A_150 = tpu.memref_squeeze %dma_wait3A_149 : memref<1x128xi32, #tpu.memory_space<vmem>> -> memref<128xi32, #tpu.memory_space<vmem>>
    %dma_wait3A_151 = arith.constant 0 : i32
    %dma_wait3A_152 = arith.constant 0 : i32
    %dma_wait3A_153 = tpu.memref_slice %arg2[%dma_wait3A_151, %dma_wait3A_152] : memref<503808x128xf32, #tpu.memory_space<hbm>> -> memref<503808x128xf32, #tpu.memory_space<hbm>>
    tpu.wait_indirect_dma semaphore(%arg7 : memref<!tpu.dma_semaphore, #tpu.memory_space<semaphore_mem>>) src(%dma_wait3A_153 : memref<503808x128xf32, #tpu.memory_space<hbm>>) dst(%dma_wait3A_147 : memref<128x128xf32, #tpu.memory_space<vmem>>)
    %dma_wait3A_154 = arith.constant 3 : i32
    %dma_wait3A_155 = arith.constant 384 : i32
    %dma_wait3A_156 = arith.constant 0 : i32
    %dma_wait3A_157 = tpu.memref_slice %arg6[%dma_wait3A_155, %dma_wait3A_156] : memref<512x128xf32, #tpu.memory_space<vmem>> -> memref<128x128xf32, #tpu.memory_space<vmem>>
    %dma_wait3A_158 = arith.constant 0 : i32
    %dma_wait3A_159 = tpu.memref_slice %arg5[%dma_wait3A_154, %dma_wait3A_158] : memref<4x128xi32, #tpu.memory_space<vmem>> -> memref<1x128xi32, #tpu.memory_space<vmem>>
    %dma_wait3A_160 = tpu.memref_squeeze %dma_wait3A_159 : memref<1x128xi32, #tpu.memory_space<vmem>> -> memref<128xi32, #tpu.memory_space<vmem>>
    %dma_wait3A_161 = arith.constant 0 : i32
    %dma_wait3A_162 = arith.constant 0 : i32
    %dma_wait3A_163 = tpu.memref_slice %arg2[%dma_wait3A_161, %dma_wait3A_162] : memref<503808x128xf32, #tpu.memory_space<hbm>> -> memref<503808x128xf32, #tpu.memory_space<hbm>>
    tpu.wait_indirect_dma semaphore(%arg7 : memref<!tpu.dma_semaphore, #tpu.memory_space<semaphore_mem>>) src(%dma_wait3A_163 : memref<503808x128xf32, #tpu.memory_space<hbm>>) dst(%dma_wait3A_157 : memref<128x128xf32, #tpu.memory_space<vmem>>)
    %mul3A_164 = arith.constant 1024 : i32
    %mul3A_165 = arith.muli %add3A, %mul3A_164 : i32
    %add3A_166 = arith.constant 512 : i32
    %add3A_167 = arith.addi %mul3A_165, %add3A_166 : i32
    "tpu.region"() ({
      %run_scoped3A_168 = tpu.sem_alloc : memref<!tpu.dma_semaphore, #tpu.memory_space<semaphore_mem>>
      %dma_start3A_169 = arith.constant 0 : i32
      %dma_start3A_170 = tpu.memref_slice %arg4[%add3A_167, %dma_start3A_169] : memref<32768x128xf32, #tpu.memory_space<hbm>> -> memref<512x128xf32, #tpu.memory_space<hbm>>
      %dma_start3A_171 = arith.constant 0 : i32
      %dma_start3A_172 = tpu.memref_slice %arg4[%add3A_167, %dma_start3A_171] : memref<32768x128xf32, #tpu.memory_space<hbm>> -> memref<512x128xf32, #tpu.memory_space<hbm>>
      tpu.enqueue_dma source(%arg6 : memref<512x128xf32, #tpu.memory_space<vmem>>) target(%dma_start3A_172 : memref<512x128xf32, #tpu.memory_space<hbm>>) target_semaphore(%run_scoped3A_168 : memref<!tpu.dma_semaphore, #tpu.memory_space<semaphore_mem>>)
      %dma_wait3A_173 = arith.constant 0 : i32
      %dma_wait3A_174 = tpu.memref_slice %arg4[%add3A_167, %dma_wait3A_173] : memref<32768x128xf32, #tpu.memory_space<hbm>> -> memref<512x128xf32, #tpu.memory_space<hbm>>
      %dma_wait3A_175 = arith.constant 0 : i32
      %dma_wait3A_176 = tpu.memref_slice %arg4[%add3A_167, %dma_wait3A_175] : memref<32768x128xf32, #tpu.memory_space<hbm>> -> memref<512x128xf32, #tpu.memory_space<hbm>>
      tpu.wait_dma2 semaphore(%run_scoped3A_168 : memref<!tpu.dma_semaphore, #tpu.memory_space<semaphore_mem>>) src(%arg6 : memref<512x128xf32, #tpu.memory_space<vmem>>) dst(%dma_wait3A_176 : memref<512x128xf32, #tpu.memory_space<hbm>>)
      tpu.yield
    }) : () -> ()
    return
  }
}

module attributes {stable_mosaic.version = 14 : i64} {
  func.func @_pack_body(%arg0: i32, %arg1: memref<64x4096xf32, #tpu.memory_space<vmem>>, %arg2: memref<64x4096xf32, #tpu.memory_space<vmem>>, %arg3: memref<4096x128xf32, #tpu.memory_space<vmem>>) attributes {dimension_semantics = [#tpu.dimension_semantics<arbitrary>], iteration_bounds = array<i64: 123>, scalar_prefetch = 0 : i64, scratch_operands = 0 : i64, tpu.core_type = #tpu.core_type<tc>, window_params = [{transform_indices = @transform_0, window_bounds = array<i64: 64, 4096>}, {transform_indices = @transform_1, window_bounds = array<i64: 64, 4096>}, {transform_indices = @transform_2, window_bounds = array<i64: 4096, 128>}]} {
    %get3A = arith.constant 0 : index
    %get3A_0 = arith.constant 0 : index
    %get3A_1 = vector.load %arg1[%get3A, %get3A_0] : memref<64x4096xf32, #tpu.memory_space<vmem>>, vector<64x4096xf32>
    %transpose3A = tpu.transpose %get3A_1, [1, 0] : vector<64x4096xf32> -> vector<4096x64xf32>
    %swap3A = arith.constant 0 : index
    %swap3A_2 = arith.constant 0 : index
    %swap3A_3 = vector.load %arg3[%swap3A, %swap3A_2] : memref<4096x128xf32, #tpu.memory_space<vmem>>, vector<4096x64xf32>
    tpu.vector_store %arg3[%swap3A, %swap3A_2], %transpose3A {strides = array<i32>} : memref<4096x128xf32, #tpu.memory_space<vmem>>, vector<4096x64xf32>,
    %get3A_4 = arith.constant 0 : index
    %get3A_5 = arith.constant 0 : index
    %get3A_6 = vector.load %arg2[%get3A_4, %get3A_5] : memref<64x4096xf32, #tpu.memory_space<vmem>>, vector<64x4096xf32>
    %transpose3A_7 = tpu.transpose %get3A_6, [1, 0] : vector<64x4096xf32> -> vector<4096x64xf32>
    %swap3A_8 = arith.constant 0 : index
    %swap3A_9 = arith.constant 64 : index
    %swap3A_10 = vector.load %arg3[%swap3A_8, %swap3A_9] : memref<4096x128xf32, #tpu.memory_space<vmem>>, vector<4096x64xf32>
    tpu.vector_store %arg3[%swap3A_8, %swap3A_9], %transpose3A_7 {strides = array<i32>} : memref<4096x128xf32, #tpu.memory_space<vmem>>, vector<4096x64xf32>,
    return
  }
  func.func @transform_0(%arg0: i32) -> (i32, i32) {
    %c0_i32 = arith.constant 0 : i32
    %c0_i32_0 = arith.constant 0 : i32
    return %c0_i32, %arg0 : i32, i32
  }
  func.func @transform_1(%arg0: i32) -> (i32, i32) {
    %add3A = arith.constant 122 : i32
    %add3A_0 = arith.addi %arg0, %add3A : i32
    %c0_i32 = arith.constant 0 : i32
    %c0_i32_1 = arith.constant 0 : i32
    return %c0_i32, %add3A_0 : i32, i32
  }
  func.func @transform_2(%arg0: i32) -> (i32, i32) {
    %c0_i32 = arith.constant 0 : i32
    %c0_i32_0 = arith.constant 0 : i32
    return %arg0, %c0_i32 : i32, i32
  }
}

module attributes {stable_mosaic.version = 14 : i64} {
  func.func @_mlp_body(%arg0: i32, %arg1: memref<2048x128xf32, #tpu.memory_space<vmem>>, %arg2: memref<2048x128xf32, #tpu.memory_space<vmem>>, %arg3: memref<2048x1xi32, #tpu.memory_space<vmem>>, %arg4: memref<2048x1xi32, #tpu.memory_space<vmem>>, %arg5: memref<64x128xf32, #tpu.memory_space<vmem>>, %arg6: memref<64x128xf32, #tpu.memory_space<vmem>>, %arg7: memref<1x128xf32, #tpu.memory_space<vmem>>, %arg8: memref<128x2xf32, #tpu.memory_space<vmem>>, %arg9: memref<1x2xf32, #tpu.memory_space<vmem>>, %arg10: memref<2048x2xf32, #tpu.memory_space<vmem>>) attributes {dimension_semantics = [#tpu.dimension_semantics<arbitrary>], iteration_bounds = array<i64: 8>, scalar_prefetch = 0 : i64, scratch_operands = 0 : i64, tpu.core_type = #tpu.core_type<tc>, window_params = [{transform_indices = @transform_0, window_bounds = array<i64: 2048, 128>}, {transform_indices = @transform_1, window_bounds = array<i64: 2048, 128>}, {transform_indices = @transform_2, window_bounds = array<i64: 2048, 1>}, {transform_indices = @transform_3, window_bounds = array<i64: 2048, 1>}, {pipeline_mode = #tpu.pipeline_mode<synchronous>, transform_indices = @transform_4, window_bounds = array<i64: 64, 128>}, {pipeline_mode = #tpu.pipeline_mode<synchronous>, transform_indices = @transform_5, window_bounds = array<i64: 64, 128>}, {pipeline_mode = #tpu.pipeline_mode<synchronous>, transform_indices = @transform_6, window_bounds = array<i64: 1, 128>}, {pipeline_mode = #tpu.pipeline_mode<synchronous>, transform_indices = @transform_7, window_bounds = array<i64: 128, 2>}, {pipeline_mode = #tpu.pipeline_mode<synchronous>, transform_indices = @transform_8, window_bounds = array<i64: 1, 2>}, {transform_indices = @transform_9, window_bounds = array<i64: 2048, 2>}]} {
    %get3A = arith.constant 0 : index
    %get3A_0 = arith.constant 0 : index
    %get3A_1 = vector.load %arg1[%get3A, %get3A_0] : memref<2048x128xf32, #tpu.memory_space<vmem>>, vector<2048x128xf32>
    %get3A_2 = arith.constant 0 : index
    %get3A_3 = arith.constant 0 : index
    %get3A_4 = vector.load %arg2[%get3A_2, %get3A_3] : memref<2048x128xf32, #tpu.memory_space<vmem>>, vector<2048x128xf32>
    %get3A_5 = arith.constant 0 : index
    %get3A_6 = arith.constant 0 : index
    %get3A_7 = vector.load %arg3[%get3A_5, %get3A_6] : memref<2048x1xi32, #tpu.memory_space<vmem>>, vector<2048x1xi32>
    %get3A_8 = arith.constant dense<0> : vector<2048x1xi32>
    %get3A_9 = arith.cmpi ne, %get3A_7, %get3A_8 : vector<2048x1xi32>
    %slice3A = vector.extract_strided_slice %get3A_1 {offsets = [0, 64], sizes = [2048, 64], strides = [1, 1]} : vector<2048x128xf32> to vector<2048x64xf32>
    %slice3A_10 = vector.extract_strided_slice %get3A_1 {offsets = [0, 0], sizes = [2048, 64], strides = [1, 1]} : vector<2048x128xf32> to vector<2048x64xf32>
    %broadcast_in_dim3A = vector.shape_cast %get3A_9 : vector<2048x1xi1> to vector<2048x1xi1>
    %broadcast_in_dim3A_11 = vector.broadcast %broadcast_in_dim3A : vector<2048x1xi1> to vector<2048x64xi1>
    %select_n3A = arith.select %broadcast_in_dim3A_11, %slice3A, %slice3A_10 : vector<2048x64xi1>, vector<2048x64xf32>
    %get3A_12 = arith.constant 0 : index
    %get3A_13 = arith.constant 0 : index
    %get3A_14 = vector.load %arg4[%get3A_12, %get3A_13] : memref<2048x1xi32, #tpu.memory_space<vmem>>, vector<2048x1xi32>
    %get3A_15 = arith.constant dense<0> : vector<2048x1xi32>
    %get3A_16 = arith.cmpi ne, %get3A_14, %get3A_15 : vector<2048x1xi32>
    %slice3A_17 = vector.extract_strided_slice %get3A_4 {offsets = [0, 64], sizes = [2048, 64], strides = [1, 1]} : vector<2048x128xf32> to vector<2048x64xf32>
    %slice3A_18 = vector.extract_strided_slice %get3A_4 {offsets = [0, 0], sizes = [2048, 64], strides = [1, 1]} : vector<2048x128xf32> to vector<2048x64xf32>
    %broadcast_in_dim3A_19 = vector.shape_cast %get3A_16 : vector<2048x1xi1> to vector<2048x1xi1>
    %broadcast_in_dim3A_20 = vector.broadcast %broadcast_in_dim3A_19 : vector<2048x1xi1> to vector<2048x64xi1>
    %select_n3A_21 = arith.select %broadcast_in_dim3A_20, %slice3A_17, %slice3A_18 : vector<2048x64xi1>, vector<2048x64xf32>
    %get3A_22 = arith.constant 0 : index
    %get3A_23 = arith.constant 0 : index
    %get3A_24 = vector.load %arg5[%get3A_22, %get3A_23] : memref<64x128xf32, #tpu.memory_space<vmem>>, vector<64x128xf32>
    %dot_general3A = arith.constant dense<0.000000e+00> : vector<2048x128xf32>
    %dot_general3A_25 = tpu.matmul %select_n3A, %get3A_24, %dot_general3A {dimension_numbers = #tpu.dot_dimension_numbers<[1], [0], [0], [1], [0, 0, 1, 1], [], []>, transpose_lhs_hint = false} : vector<2048x64xf32>, vector<64x128xf32>, vector<2048x128xf32> -> vector<2048x128xf32>
    %get3A_26 = arith.constant 0 : index
    %get3A_27 = arith.constant 0 : index
    %get3A_28 = vector.load %arg6[%get3A_26, %get3A_27] : memref<64x128xf32, #tpu.memory_space<vmem>>, vector<64x128xf32>
    %dot_general3A_29 = arith.constant dense<0.000000e+00> : vector<2048x128xf32>
    %dot_general3A_30 = tpu.matmul %select_n3A_21, %get3A_28, %dot_general3A_29 {dimension_numbers = #tpu.dot_dimension_numbers<[1], [0], [0], [1], [0, 0, 1, 1], [], []>, transpose_lhs_hint = false} : vector<2048x64xf32>, vector<64x128xf32>, vector<2048x128xf32> -> vector<2048x128xf32>
    %add3A = arith.addf %dot_general3A_25, %dot_general3A_30 : vector<2048x128xf32>
    %get3A_31 = arith.constant 0 : index
    %get3A_32 = arith.constant 0 : index
    %get3A_33 = vector.load %arg7[%get3A_31, %get3A_32] : memref<1x128xf32, #tpu.memory_space<vmem>>, vector<1x128xf32>
    %add3A_34 = vector.broadcast %get3A_33 : vector<1x128xf32> to vector<2048x128xf32>
    %add3A_35 = arith.addf %add3A, %add3A_34 : vector<2048x128xf32>
    %tanh3A = math.tanh %add3A_35 : vector<2048x128xf32>
    %get3A_36 = arith.constant 0 : index
    %get3A_37 = arith.constant 0 : index
    %get3A_38 = vector.load %arg8[%get3A_36, %get3A_37] : memref<128x2xf32, #tpu.memory_space<vmem>>, vector<128x2xf32>
    %dot_general3A_39 = arith.constant dense<0.000000e+00> : vector<2048x2xf32>
    %dot_general3A_40 = tpu.matmul %tanh3A, %get3A_38, %dot_general3A_39 {dimension_numbers = #tpu.dot_dimension_numbers<[1], [0], [0], [1], [0, 0, 1, 1], [], []>, transpose_lhs_hint = false} : vector<2048x128xf32>, vector<128x2xf32>, vector<2048x2xf32> -> vector<2048x2xf32>
    %get3A_41 = arith.constant 0 : index
    %get3A_42 = arith.constant 0 : index
    %get3A_43 = vector.load %arg9[%get3A_41, %get3A_42] : memref<1x2xf32, #tpu.memory_space<vmem>>, vector<1x2xf32>
    %add3A_44 = vector.broadcast %get3A_43 : vector<1x2xf32> to vector<2048x2xf32>
    %add3A_45 = arith.addf %dot_general3A_40, %add3A_44 : vector<2048x2xf32>
    %swap3A = arith.constant 0 : index
    %swap3A_46 = arith.constant 0 : index
    %swap3A_47 = vector.load %arg10[%swap3A, %swap3A_46] : memref<2048x2xf32, #tpu.memory_space<vmem>>, vector<2048x2xf32>
    tpu.vector_store %arg10[%swap3A, %swap3A_46], %add3A_45 {strides = array<i32>} : memref<2048x2xf32, #tpu.memory_space<vmem>>, vector<2048x2xf32>,
    return
  }
  func.func @transform_0(%arg0: i32) -> (i32, i32) {
    %c0_i32 = arith.constant 0 : i32
    %c0_i32_0 = arith.constant 0 : i32
    return %arg0, %c0_i32 : i32, i32
  }
  func.func @transform_1(%arg0: i32) -> (i32, i32) {
    %add3A = arith.constant 8 : i32
    %add3A_0 = arith.addi %arg0, %add3A : i32
    %c0_i32 = arith.constant 0 : i32
    %c0_i32_1 = arith.constant 0 : i32
    return %add3A_0, %c0_i32 : i32, i32
  }
  func.func @transform_2(%arg0: i32) -> (i32, i32) {
    %c0_i32 = arith.constant 0 : i32
    %c0_i32_0 = arith.constant 0 : i32
    return %arg0, %c0_i32 : i32, i32
  }
  func.func @transform_3(%arg0: i32) -> (i32, i32) {
    %c0_i32 = arith.constant 0 : i32
    %c0_i32_0 = arith.constant 0 : i32
    return %arg0, %c0_i32 : i32, i32
  }
  func.func @transform_4(%arg0: i32) -> (i32, i32) {
    %c0_i32 = arith.constant 0 : i32
    %c0_i32_0 = arith.constant 0 : i32
    %c0_i32_1 = arith.constant 0 : i32
    return %c0_i32, %c0_i32_0 : i32, i32
  }
  func.func @transform_5(%arg0: i32) -> (i32, i32) {
    %c0_i32 = arith.constant 0 : i32
    %c0_i32_0 = arith.constant 0 : i32
    %c0_i32_1 = arith.constant 0 : i32
    return %c0_i32, %c0_i32_0 : i32, i32
  }
  func.func @transform_6(%arg0: i32) -> (i32, i32) {
    %c0_i32 = arith.constant 0 : i32
    %c0_i32_0 = arith.constant 0 : i32
    %c0_i32_1 = arith.constant 0 : i32
    return %c0_i32, %c0_i32_0 : i32, i32
  }
  func.func @transform_7(%arg0: i32) -> (i32, i32) {
    %c0_i32 = arith.constant 0 : i32
    %c0_i32_0 = arith.constant 0 : i32
    %c0_i32_1 = arith.constant 0 : i32
    return %c0_i32, %c0_i32_0 : i32, i32
  }
  func.func @transform_8(%arg0: i32) -> (i32, i32) {
    %c0_i32 = arith.constant 0 : i32
    %c0_i32_0 = arith.constant 0 : i32
    %c0_i32_1 = arith.constant 0 : i32
    return %c0_i32, %c0_i32_0 : i32, i32
  }
  func.func @transform_9(%arg0: i32) -> (i32, i32) {
    %c0_i32 = arith.constant 0 : i32
    %c0_i32_0 = arith.constant 0 : i32
    return %arg0, %c0_i32 : i32, i32
  }
}

</mosaic_0001>

<sc_bundles>
// kernel: kernel.5.cloned.1.call-start
scs
__scs_entry_jumppad:
0x0: {  	(pc) =	sbr.rel $0x88, $3  }
0x1: {  	(tag) =	ssettag $0x0;
	lr =	simm.s32 $0x1  }
0x2: {  	[smem:$0x3F9B] =	sst lr;
	_ =	strace $0xD0000000  }
0x3: {  	_ = 	snop  }
0x4: {  	_ = 	snop  }
0x5: {  	_ = 	snop  }
0x6: {  	_ = 	snop  }
0x7: {  	_ = 	snop  }
__scs_overlays_trampoline_lowered:
0x8: {  	[smem:$0x3FAA] =	sst s0  }
0x9: {  	[smem:$0x3FAB] =	sst s1  }
0xa: {  	[smem:$0x3FAC] =	sst s2  }
0xb: {  	[smem:$0x3FAD] =	sst s3  }
0xc: {  	[smem:$0x3FAE] =	sst s4  }
0xd: {  	[smem:$0x3FAF] =	sst s5  }
0xe: {  	[smem:$0x3FB0] =	sst s6  }
0xf: {  	[smem:$0x3FB1] =	sst s7  }
0x10: {  	[smem:$0x3FB2] =	sst s8  }
0x11: {  	[smem:$0x3FB3] =	sst s9;
	s0 =	simm.s32 @!p0 $0x0  }
0x12: {  	s1 =	sld [smem:$0x3F99];
	s0 =	simm.s32 @p0 $0x1  }
0x13: {  	[smem:$0x3FB4] =	sst s0;
	s0 =	simm.s32 @!p1 $0x0  }
0x14: {  	s2 =	sld [smem:$0x3F98];
	s0 =	simm.s32 @p1 $0x1  }
0x15: {  	[smem:$0x3FB5] =	sst s0;
	s0 =	simm.s32 @!p2 $0x0  }
0x16: {  	s3 =	sld [smem:$0x3FDB];
	s0 =	simm.s32 @p2 $0x1  }
0x17: {  	s4 =	simm.s32 $0x1BF5;
	[smem:$0x3FB7] =	sst s0  }
0x18: {  	s0 =	sld [smem:$0x3F9A];
	_ =	swait.ge [sflag:s4], $0x0  }
0x19: {  	s7 =	sld [smem:$0x3F9B]  }
0x1a: {  	s8 =	sadd.s32 $0xFFFFE003, lr  }
0x1b: {  	s9 =	sadd.s32 $0xFFFFFEF7, lr;
	s5 =	simm.s32 $0xFFFFFFFF;
	p2 =	slt.u32 s8, $0xFFFFF086  }
0x1c: {  	p1 =	slt.u32 s9, $0xF7A;
	s5 =	simm.s32 @!p2 $0x0  }
0x1d: {  	s5 =	simm.s32 @p1 $0x1;
	p0 =	seq.s32 s7, s2  }
0x1e: {  	s7 =	smul.u32 @!p0 $0xF7A, s2;
	p2 =	seq.s32 @!p0 s5, $0x0  }
0x1f: {  	s9 =	smul.u32 $0xF7A, s1;
	s8 =	simm.s32 @!p0 $0x1BF5;
	p2 =	por !p2, p0  }
0x20: {  	[sflag:s8] =	ssyncset.s32 @!p0 $0xFFFFF086;
	s6 =	sadd.s32 @!p0 s3, s7;
	s7 =	simm.s32 @!p0 $0x108  }
0x21: {  	s3 =	sadd.s32 s3, s9;
	s6 =	sadd.s32 @!p0 $0x88, s6;
	s7 =	simm.s32 @p2 $0x1082  }
0x22: {  	[simem:s7], [sflag:s8] =	dma.local @!p0 [hbm:s6], $0xF7A  }
0x23: {  	s9 =	sor.u32 $0xD0000000, s2;
	s6 =	simm.s32 $0x108;
	_ =	swait.ge @!p0 [sflag:s8], $0x0  }
0x24: {  	s3 =	sadd.s32 $0x88, s3;
	s6 =	simm.s32 @!p1 $0x1082;
	[sflag:s4] =	ssyncset.s32 $0xFFFFF086  }
0x25: {  	[simem:s6], [sflag:s4] =	dma.local [hbm:s3], $0xF7A  }
0x26: {  	[smem:$0x3F9B] =	sst s1;
	(tag) =	ssettag s2;
	_ =	strace s9  }
0x27: {  	s1 =	sld [smem:$0x3FAB]  }
0x28: {  	s2 =	sld [smem:$0x3FAC]  }
0x29: {  	s4 =	sld [smem:$0x3FAE]  }
0x2a: {  	p0 =	seq.s32 s5, $0x0;
	s5 =	sld [smem:$0x3FAF]  }
0x2b: {  	s6 =	sld [smem:$0x3FB0]  }
0x2c: {  	s7 =	sld [smem:$0x3FB1]  }
0x2d: {  	s3 =	simm.s32 $0x108;
	s8 =	sld [smem:$0x3FB2]  }
0x2e: {  	s3 =	simm.s32 @!p0 $0x1082;
	s9 =	sld [smem:$0x3FB3]  }
0x2f: {  	lr =	sadd.s32 s0, s3;
	s0 =	sld [smem:$0x3FAA]  }
0x30: {  	s3 =	sld [smem:$0x3FAD]  }
0x31: {  	[smem:$0x3FB6] =	sst s10  }
0x32: {  	s10 =	sld [smem:$0x3FB4];
	_ =	sdelay $0x3  }
0x33: {  	p0 =	seq.s32 s10, $0x1;
	s10 =	sld [smem:$0x3FB6];
	_ =	sdelay $0x3  }
0x34: {  	[smem:$0x3FB6] =	sst s10  }
0x35: {  	s10 =	sld [smem:$0x3FB5];
	_ =	sdelay $0x3  }
0x36: {  	p1 =	seq.s32 s10, $0x1;
	s10 =	sld [smem:$0x3FB6];
	_ =	sdelay $0x3  }
0x37: {  	[smem:$0x3FB6] =	sst s10  }
0x38: {  	s10 =	sld [smem:$0x3FB7]  }
0x39: {  	_ = 	snop;
	(pc) =	sbr.ind lr, $3  }
0x3a: {  	_ = 	snop  }
0x3b: {  	_ = 	snop  }
0x3c: {  	p2 =	seq.s32 s10, $0x1;
	s10 =	sld [smem:$0x3FB6]  }
0x3d: {  	_ =	shalt  }
0x3e: {  	_ =	shalt  }
0x3f: {  	_ =	shalt  }
0x40: {  	_ =	shalt  }
0x41: {  	_ =	shalt  }
0x42: {  	_ =	shalt  }
0x43: {  	_ =	shalt  }
0x44: {  	_ =	shalt  }
0x45: {  	_ =	shalt  }
0x46: {  	_ =	shalt  }
0x47: {  	_ =	shalt  }
0x48: {  	_ =	shalt  }
0x49: {  	_ =	shalt  }
0x4a: {  	_ =	shalt  }
0x4b: {  	_ =	shalt  }
0x4c: {  	_ =	shalt  }
0x4d: {  	_ =	shalt  }
0x4e: {  	_ =	shalt  }
0x4f: {  	_ =	shalt  }
0x50: {  	_ =	shalt  }
0x51: {  	_ =	shalt  }
0x52: {  	_ =	shalt  }
0x53: {  	_ =	shalt  }
0x54: {  	_ =	shalt  }
0x55: {  	_ =	shalt  }
0x56: {  	_ =	shalt  }
0x57: {  	_ =	shalt  }
0x58: {  	_ =	shalt  }
0x59: {  	_ =	shalt  }
0x5a: {  	_ =	shalt  }
0x5b: {  	_ =	shalt  }
0x5c: {  	_ =	shalt  }
0x5d: {  	_ =	shalt  }
0x5e: {  	_ =	shalt  }
0x5f: {  	_ =	shalt  }
0x60: {  	_ =	shalt  }
0x61: {  	_ =	shalt  }
0x62: {  	_ =	shalt  }
0x63: {  	_ =	shalt  }
0x64: {  	_ =	shalt  }
0x65: {  	_ =	shalt  }
0x66: {  	_ =	shalt  }
0x67: {  	_ =	shalt  }
0x68: {  	_ =	shalt  }
0x69: {  	_ =	shalt  }
0x6a: {  	_ =	shalt  }
0x6b: {  	_ =	shalt  }
0x6c: {  	_ =	shalt  }
0x6d: {  	_ =	shalt  }
0x6e: {  	_ =	shalt  }
0x6f: {  	_ =	shalt  }
0x70: {  	_ =	shalt  }
0x71: {  	_ =	shalt  }
0x72: {  	_ =	shalt  }
0x73: {  	_ =	shalt  }
0x74: {  	_ =	shalt  }
0x75: {  	_ =	shalt  }
0x76: {  	_ =	shalt  }
0x77: {  	_ =	shalt  }
0x78: {  	_ =	shalt  }
0x79: {  	_ =	shalt  }
0x7a: {  	_ =	shalt  }
0x7b: {  	_ =	shalt  }
0x7c: {  	_ =	shalt  }
0x7d: {  	_ =	shalt  }
0x7e: {  	_ =	shalt  }
0x7f: {  	_ =	shalt  }
0x80: {  	_ =	shalt  }
0x81: {  	_ =	shalt  }
0x82: {  	_ =	shalt  }
0x83: {  	_ =	shalt  }
0x84: {  	_ =	shalt  }
0x85: {  	_ =	shalt  }
0x86: {  	_ =	shalt  }
0x87: {  	_ =	shalt  }
.Lfunc_end0:
.L_simem_size_0:
called_computation_lowered:
.L_overlay_start_0:
0x88: {  	s2 =	sld [smem:$0x3FD9]  }
0x89: {  	s3 =	sld [smem:$0x3FFE];
	_ =	sdelay $0x1  }
0x8a: {  	s1 =	srdreg.scid  }
0x8b: {  	s0 =	sand.u32 $0x1, s1  }
0x8c: {  	s17 =	sshll.u32 s0, $0xA;
	s2 =	sadd.s32 s3, s2  }
0x8d: {  	s2 =	sadd.s32 s2, s17  }
0x8e: {  	[smem:$0x3FC2] =	sst s2  }
0x8f: {  	_ = 	snop  }
0x90: {  	s2 =	sld [smem:$0x3FD0];
	(tm) =	ssettm $0x1  }
0x91: {  	s18 =	sld [smem:$0x3FFB];
	_ =	sdelay $0x3  }
0x92: {  	_ =	strace s18  }
0x93: {  	s3 =	sld [smem:$0x3FFC];
	_ =	sdelay $0x3  }
0x94: {  	_ =	strace s3  }
0x95: {  	s3 =	sld [smem:$0x3FFD];
	_ =	sdelay $0x3  }
0x96: {  	_ =	strace s3  }
0x97: {  	_ =	strace $0x8FFFFFFF  }
0x98: {  	s19 =	sld [smem:$0x3FDB];
	_ =	sdelay $0x1  }
0x99: {  	s4 =	simm.s32 $_scs_section_size  }
0x9a: {  	s5 =	simm.s32 $_size__tile_overlayer_lowered;
	s6 =	simm.s32 $_tile_overlayer_lowered  }
0x9b: {  	s22 =	simm.s32 $0x1BFF;
	s21 =	sshll.u32 s6, $0x1;
	s3 =	sadd.s32 s4, s19  }
0x9c: {  	s7 =	simm.s32 $0x0;
	s20 =	sshll.u32 s5, $0x1;
	s5 =	sadd.s32 s21, s3  }
0x9d: {  	[timem:s7], [sflag:s22] =	dma.local [hbm:s5], s20  }
0x9e: {  	_ =	swait.ge [sflag:s22], s20  }
0x9f: {  	s4 =	ssub.s32 $0x0, s20;
	[sflag:s22] =	ssyncset.done $0x0  }
0xa0: {  	[sflag:s22] =	ssyncadd.s32 s4;
	_ =	sdelay $0x1  }
0xa1: {  	s23 =	simm.s32 $0x1B8B  }
0xa2: {  	_ =	swait.ge [sflag:s23], $0x1  }
0xa3: {  	[sflag:s23] =	ssyncset.done $0x0  }
0xa4: {  	s25 =	simm.s32 $0x1B8E;
	s24 =	sld [smem:$0x3FFE];
	[sflag:s23] =	ssyncadd.s32 $0xFFFFFFFF  }
0xa5: {  	s26 =	simm.s32 $execute0_lowered;
	[smem:$0x3FD2] =	sst s25  }
0xa6: {  	s5 =	sshll.u32 s26, $0x1;
	_ =	strace $0x80000046;
	[dreg:$0x1] =	wrdreg $0xFFFFFFFF  }
0xa7: {  	s28 =	simm.s32 $_size_execute0_lowered;
	s3 =	sadd.s32 s3, s5;
	[dreg:$0x0] =	wrdreg $0x0  }
0xa8: {  	s5 =	sshll.u32 s28, $0x1;
	[dreg:$0x2] =	wrdreg s3  }
0xa9: {  	[dreg:$0x3] =	wrdreg s5  }
0xaa: {  	[dreg:$0x4] =	wrdreg $0xC0  }
0xab: {  	_ =	task [dreg:s7], $0x5FFFF  }
0xac: {  	[dreg:$0x1] =	wrdreg $0xFFFFFFFF  }
0xad: {  	[dreg:$0x0] =	wrdreg $0x60  }
0xae: {  	[dreg:$0x2] =	wrdreg s24  }
0xaf: {  	[dreg:$0x3] =	wrdreg s2  }
0xb0: {  	[dreg:$0x4] =	wrdreg $0x9  }
0xb1: {  	_ =	task.clear_ibuf [dreg:s7], $0x5FFFF;
	_ =	strace $0x90000046  }
0xb2: {  	s29 =	simm.s32 $0x9;
	_ =	strace $0x80000048  }
0xb3: {  	_ =	swait.ge [sflag:s29], $0x1  }
0xb4: {  	[sflag:s29] =	ssyncadd.s32 $0xFFFFFFFF  }
0xb5: {  	_ =	strace $0x90000048  }
0xb6: {  	_ =	sfence  }
0xb7: {  	s30 =	sld [smem:$0x0];
	_ =	sdelay $0x2  }
0xb8: {  	s31 =	sshll.u32 s1, $0xD;
	s1 =	sshrl.u32 s1, $0x2  }
0xb9: {  	s3 =	sand.u32 $0x4000, s31;
	s1 =	sadd.s32 s1, s30  }
0xba: {  	s0 =	sor.u32 s3, s0;
	s1 =	sshll.u32 s1, $0x11  }
0xbb: {  	s0 =	sor.u32 s1, s0  }
0xbc: {  	s0 =	sadd.s32 $0x8F2B, s0  }
0xbd: {  	[sflag:s0] =	ssyncadd.remote.s32 $0x1  }
0xbe: {  	_ =	sfence.sel $0xFFFF  }
0xbf: {  	[dreg:$0x0] =	wrdreg $0xFFFFFFFF;
	(pc) =	sbr.abs _section_cstart, $3  }
0xc0: {  	[dreg:$0x1] =	wrdreg $0xFFFFFFFF  }
0xc1: {  	_ =	task.clear_ibuf [dreg:s7], $0x2FFFF;
	_ =	strace $0x9FFFFFFF  }
0xc2: {  	(tm) =	ssettm $0x7FFFFFFF  }
0xc3: {  	_ =	shalt  }
tec
execute0_lowered:
.L_overlay_start_1:
0x0: {  	(tag) =	ssettag $0x1  }
0x1: {  	s1 =	srdreg.scid  }
0x2: {  	s14 =	rddreg [dreg:$0x0];
	s0 =	stileid.u32;
	s16 =	sand.u32 $0x1, s1  }
0x3: {  	s15 =	rddreg [dreg:$0x1];
	s3 =	sshll.u32 s0, $0xB;
	s4 =	sshll.u32 s16, $0xA  }
0x4: {  	s2 =	simm.s32 $0x0;
	s1 =	rddreg [dreg:$0x2];
	s17 =	sor.u32 s4, s3  }
0x5: {  	[smem:$0x7FF] =	sst s2;
	s3 =	sshrl.u32 s17, $0x3  }
0x6: {  	_ =	strace $0x80000047;
	s4 =	sadd.s32 s15, s3;
	s3 =	simm.s32 $0x2  }
0x7: {  	[tilespmem:s2], [sflag:$0x2] =	stream.linear.gather [hbm4b:s4+s2], $0x200, $0x38;
	[tilespmem:$0x10200] =	vst v63  }
0x8: {  	_ =	swait.ge [sflag:s3], $0x200  }
0x9: {  	s6 =	simm.s32 $0x80;
	[sflag:s3] =	ssyncset.done $0x0  }
0xa: {  	s7 =	simm.s32 $0x200;
	s5 =	sadd.s32 $0x1400, s14;
	[sflag:s3] =	ssyncadd.s32 $0xFFFFFE00  }
0xb: {  	[tilespmem:s7], [sflag:$0x1] =	stream.indirect.gather [hbm4b:s5+s6], $0x80, s2, s6, $0xb8;
	[tilespmem:$0x10200] =	vst v63  }
0xc: {  	s8 =	simm.s32 $0x4200  }
0xd: {  	[tilespmem:s8], [sflag:$0x1] =	stream.indirect.gather [hbm4b:s5+s6], $0x80, s6, s6, $0xb8;
	[tilespmem:$0x10200] =	vst v63  }
0xe: {  	s9 =	simm.s32 $0x100;
	s10 =	simm.s32 $0x8200  }
0xf: {  	[tilespmem:s10], [sflag:$0x1] =	stream.indirect.gather [hbm4b:s5+s6], $0x80, s9, s6, $0xb8;
	[tilespmem:$0x10200] =	vst v63  }
0x10: {  	s11 =	simm.s32 $0x180;
	s12 =	simm.s32 $0xC200;
	s13 =	simm.s32 $0x1  }
0x11: {  	[tilespmem:s12], [sflag:$0x1] =	stream.indirect.gather [hbm4b:s5+s6], $0x80, s11, s6, $0xb8;
	[tilespmem:$0x10200] =	vst v63  }
0x12: {  	_ =	swait.ge [sflag:s13], $0x4000  }
0x13: {  	[sflag:s13] =	ssyncset.done $0x0  }
0x14: {  	[sflag:s13] =	ssyncadd.s32 $0xFFFFC000  }
0x15: {  	_ =	swait.ge [sflag:s13], $0x4000  }
0x16: {  	[sflag:s13] =	ssyncset.done $0x0  }
0x17: {  	[sflag:s13] =	ssyncadd.s32 $0xFFFFC000  }
0x18: {  	_ =	swait.ge [sflag:s13], $0x4000  }
0x19: {  	[sflag:s13] =	ssyncset.done $0x0  }
0x1a: {  	[sflag:s13] =	ssyncadd.s32 $0xFFFFC000  }
0x1b: {  	_ =	swait.ge [sflag:s13], $0x4000  }
0x1c: {  	s18 =	sadd.s32 $0x7B1400, s14;
	s28 =	sshll.u32 s17, $0x4;
	[sflag:s13] =	ssyncset.done $0x0  }
0x1d: {  	s14 =	sadd.s32 s18, s28;
	[sflag:s13] =	ssyncadd.s32 $0xFFFFC000  }
0x1e: {  	[hbm4b:s14+s2] =	stream.linear.scatter [tilespmem:s7], [sflag:$0x2], $0x10000, $0x38;
	[tilespmem:$0x10200] =	vst v63  }
0x1f: {  	s17 =	sor.u32 $0x200, s17;
	_ =	swait.ge [sflag:s3], $0x10000  }
0x20: {  	s19 =	sshrl.u32 s17, $0x3;
	[sflag:s3] =	ssyncset.done $0x0  }
0x21: {  	s15 =	sadd.s32 s15, s19;
	[sflag:s3] =	ssyncadd.s32 $0xFFFF0000  }
0x22: {  	[tilespmem:s2], [sflag:$0x2] =	stream.linear.gather [hbm4b:s15+s2], $0x200, $0x38;
	[tilespmem:$0x10200] =	vst v63  }
0x23: {  	_ =	swait.ge [sflag:s3], $0x200  }
0x24: {  	[sflag:s3] =	ssyncset.done $0x0  }
0x25: {  	[sflag:s3] =	ssyncadd.s32 $0xFFFFFE00  }
0x26: {  	[tilespmem:s7], [sflag:$0x1] =	stream.indirect.gather [hbm4b:s5+s6], $0x80, s2, s6, $0xb8;
	[tilespmem:$0x10200] =	vst v63  }
0x27: {  	_ = 	snop  }
0x28: {  	[tilespmem:s8], [sflag:$0x1] =	stream.indirect.gather [hbm4b:s5+s6], $0x80, s6, s6, $0xb8;
	[tilespmem:$0x10200] =	vst v63  }
0x29: {  	_ = 	snop  }
0x2a: {  	[tilespmem:s10], [sflag:$0x1] =	stream.indirect.gather [hbm4b:s5+s6], $0x80, s9, s6, $0xb8;
	[tilespmem:$0x10200] =	vst v63  }
0x2b: {  	_ = 	snop  }
0x2c: {  	[tilespmem:s12], [sflag:$0x1] =	stream.indirect.gather [hbm4b:s5+s6], $0x80, s11, s6, $0xb8;
	[tilespmem:$0x10200] =	vst v63  }
0x2d: {  	_ =	swait.ge [sflag:s13], $0x4000  }
0x2e: {  	[sflag:s13] =	ssyncset.done $0x0  }
0x2f: {  	[sflag:s13] =	ssyncadd.s32 $0xFFFFC000  }
0x30: {  	_ =	swait.ge [sflag:s13], $0x4000  }
0x31: {  	[sflag:s13] =	ssyncset.done $0x0  }
0x32: {  	s16 =	ssub.s32 $0x2, s16;
	[sflag:s13] =	ssyncadd.s32 $0xFFFFC000  }
0x33: {  	s29 =	sshrl.u32 s16, $0x1;
	_ =	swait.ge [sflag:s13], $0x4000  }
0x34: {  	s19 =	ssub.s32 s16, s29;
	[sflag:s13] =	ssyncset.done $0x0  }
0x35: {  	s31 =	smax.u32 s19, $0x1;
	[sflag:s13] =	ssyncadd.s32 $0xFFFFC000  }
0x36: {  	p0 =	sne.s32 s31, $0x1;
	_ =	swait.ge [sflag:s13], $0x4000  }
.Ltmp0:
0x37: {  	s30 =	sshll.u32 s17, $0x4;
	[sflag:s13] =	ssyncset.done $0x0;
	(pc) =	sbr.rel @!p0 .LBB2_2-.Ltmp0, $4  }
0x38: {  	s16 =	sadd.s32 s18, s30;
	[sflag:s13] =	ssyncadd.s32 $0xFFFFC000  }
0x39: {  	[hbm4b:s16+s2] =	stream.linear.scatter [tilespmem:s7], [sflag:$0x2], $0x10000, $0x38;
	[tilespmem:$0x10200] =	vst v63  }
0x3a: {  	_ =	swait.ge [sflag:s3], $0x10000  }
0x3b: {  	s17 =	sadd.s32 $0xFFFFFFFF, s31;
	[sflag:s3] =	ssyncset.done $0x0  }
.LBB2_1:
0x3c: {  	p0 =	sne.s32 s17, $0x1;
	s17 =	sadd.s32 $0xFFFFFFFF, s17;
	[sflag:s3] =	ssyncadd.s32 $0xFFFF0000  }
0x3d: {  	[tilespmem:s2], [sflag:$0x2] =	stream.linear.gather [hbm4b:s4+s2], $0x200, $0x38;
	[tilespmem:$0x10200] =	vst v63  }
0x3e: {  	_ =	swait.ge [sflag:s3], $0x200  }
0x3f: {  	[sflag:s3] =	ssyncset.done $0x0  }
0x40: {  	[sflag:s3] =	ssyncadd.s32 $0xFFFFFE00  }
0x41: {  	[tilespmem:s7], [sflag:$0x1] =	stream.indirect.gather [hbm4b:s5+s6], $0x80, s2, s6, $0xb8;
	[tilespmem:$0x10200] =	vst v63  }
0x42: {  	_ = 	snop  }
0x43: {  	[tilespmem:s8], [sflag:$0x1] =	stream.indirect.gather [hbm4b:s5+s6], $0x80, s6, s6, $0xb8;
	[tilespmem:$0x10200] =	vst v63  }
0x44: {  	_ = 	snop  }
0x45: {  	[tilespmem:s10], [sflag:$0x1] =	stream.indirect.gather [hbm4b:s5+s6], $0x80, s9, s6, $0xb8;
	[tilespmem:$0x10200] =	vst v63  }
0x46: {  	_ = 	snop  }
0x47: {  	[tilespmem:s12], [sflag:$0x1] =	stream.indirect.gather [hbm4b:s5+s6], $0x80, s11, s6, $0xb8;
	[tilespmem:$0x10200] =	vst v63  }
0x48: {  	_ =	swait.ge [sflag:s13], $0x4000  }
0x49: {  	[sflag:s13] =	ssyncset.done $0x0  }
0x4a: {  	[sflag:s13] =	ssyncadd.s32 $0xFFFFC000  }
0x4b: {  	_ =	swait.ge [sflag:s13], $0x4000  }
0x4c: {  	[sflag:s13] =	ssyncset.done $0x0  }
0x4d: {  	[sflag:s13] =	ssyncadd.s32 $0xFFFFC000  }
0x4e: {  	_ =	swait.ge [sflag:s13], $0x4000  }
0x4f: {  	[sflag:s13] =	ssyncset.done $0x0  }
0x50: {  	[sflag:s13] =	ssyncadd.s32 $0xFFFFC000  }
0x51: {  	_ =	swait.ge [sflag:s13], $0x4000  }
0x52: {  	[sflag:s13] =	ssyncset.done $0x0  }
0x53: {  	[sflag:s13] =	ssyncadd.s32 $0xFFFFC000  }
0x54: {  	[hbm4b:s14+s2] =	stream.linear.scatter [tilespmem:s7], [sflag:$0x2], $0x10000, $0x38;
	[tilespmem:$0x10200] =	vst v63  }
0x55: {  	_ =	swait.ge [sflag:s3], $0x10000  }
0x56: {  	[sflag:s3] =	ssyncset.done $0x0  }
0x57: {  	[sflag:s3] =	ssyncadd.s32 $0xFFFF0000  }
0x58: {  	[tilespmem:s2], [sflag:$0x2] =	stream.linear.gather [hbm4b:s15+s2], $0x200, $0x38;
	[tilespmem:$0x10200] =	vst v63  }
0x59: {  	_ =	swait.ge [sflag:s3], $0x200  }
0x5a: {  	[sflag:s3] =	ssyncset.done $0x0  }
0x5b: {  	[sflag:s3] =	ssyncadd.s32 $0xFFFFFE00  }
0x5c: {  	[tilespmem:s7], [sflag:$0x1] =	stream.indirect.gather [hbm4b:s5+s6], $0x80, s2, s6, $0xb8;
	[tilespmem:$0x10200] =	vst v63  }
0x5d: {  	_ = 	snop  }
0x5e: {  	[tilespmem:s8], [sflag:$0x1] =	stream.indirect.gather [hbm4b:s5+s6], $0x80, s6, s6, $0xb8;
	[tilespmem:$0x10200] =	vst v63  }
0x5f: {  	_ = 	snop  }
0x60: {  	[tilespmem:s10], [sflag:$0x1] =	stream.indirect.gather [hbm4b:s5+s6], $0x80, s9, s6, $0xb8;
	[tilespmem:$0x10200] =	vst v63  }
0x61: {  	_ = 	snop  }
0x62: {  	[tilespmem:s12], [sflag:$0x1] =	stream.indirect.gather [hbm4b:s5+s6], $0x80, s11, s6, $0xb8;
	[tilespmem:$0x10200] =	vst v63  }
0x63: {  	_ =	swait.ge [sflag:s13], $0x4000  }
0x64: {  	[sflag:s13] =	ssyncset.done $0x0  }
0x65: {  	[sflag:s13] =	ssyncadd.s32 $0xFFFFC000  }
0x66: {  	_ =	swait.ge [sflag:s13], $0x4000  }
0x67: {  	[sflag:s13] =	ssyncset.done $0x0  }
0x68: {  	[sflag:s13] =	ssyncadd.s32 $0xFFFFC000  }
0x69: {  	_ =	swait.ge [sflag:s13], $0x4000  }
0x6a: {  	[sflag:s13] =	ssyncset.done $0x0  }
0x6b: {  	[sflag:s13] =	ssyncadd.s32 $0xFFFFC000  }
0x6c: {  	_ =	swait.ge [sflag:s13], $0x4000  }
.Ltmp1:
0x6d: {  	[sflag:s13] =	ssyncset.done $0x0;
	(pc) =	sbr.rel @p0 .LBB2_1-.Ltmp1, $4  }
0x6e: {  	[sflag:s13] =	ssyncadd.s32 $0xFFFFC000  }
0x6f: {  	[hbm4b:s16+s2] =	stream.linear.scatter [tilespmem:s7], [sflag:$0x2], $0x10000, $0x38;
	[tilespmem:$0x10200] =	vst v63  }
0x70: {  	_ =	swait.ge [sflag:s3], $0x10000  }
0x71: {  	[sflag:s3] =	ssyncset.done $0x0  }
.LBB2_2:
0x72: {  	[sflag:s3] =	ssyncadd.s32 $0xFFFF0000  }
0x73: {  	_ =	sfence.sel $0x180000  }
0x74: {  	[bflag:$0x0] =	sbarrier.arrive $0xFFFF  }
0x75: {  	p0 =	sne.s32 s0, $0x0;
	_ =	strace $0x90000047  }
0x76: {  	s0 =	sadd.s32 @!p0 $0x100000, s1;
	[bflag:$0x2] =	sbarrier.arrive $0xFFFF  }
0x77: {  	[sflag:s0] =	ssyncadd.tile.s32 @!p0 $0x1;
	_ =	shalt  }
.Lfunc_end2:
_tile_overlayer_lowered:
.L_overlay_start_2:
0x78: {  	(tag) =	ssettag $0x2  }
0x79: {  	s0 =	rddreg [dreg:$0x0];
	s2 =	stileid.u32  }
0x7a: {  	s1 =	rddreg [dreg:$0x1];
	p0 =	sne.s32 s2, $0x0  }
0x7b: {  	s3 =	rddreg [dreg:$0x2];
	[bflag:$0x3] =	sbarrier.arrive $0xFFFF;
	s2 =	simm.s32 @!p0 $0x1C02  }
0x7c: {  	[timem:s3], [sflag:s2] =	dma.local @!p0 [hbm:s0], s1  }
0x7d: {  	s0 =	simm.s32 @!p0 $0x2  }
0x7e: {  	_ =	swait.ge @!p0 [sflag:s0], s1  }
0x7f: {  	s1 =	ssub.s32 @!p0 $0x0, s1;
	[sflag:s0] =	ssyncset.done @!p0 $0x0  }
0x80: {  	[sflag:s0] =	ssyncadd.s32 @!p0 s1  }
0x81: {  	[bflag:$0x3] =	sbarrier.arrive $0xFFFF  }
0x82: {  	_ =	shalt  }

</sc_bundles>
